<compile_context>
chip_gen: v7x
topology: tpu7x:2x2x1
jax: 0.10.2.dev20260603
libtpu: 0.0.44.dev20260713+nightly
codegen_flags: <defaults>
</compile_context>

<pallas_src>
import functools

import jax
import jax.numpy as jnp
from jax import lax
from jax.experimental import pallas as pl
from jax.experimental.pallas import tpu as pltpu
from jax.experimental.pallas import tpu_sc as plsc

NC, NS = 2, 16
NW = NC * NS
CHUNK = 128


def _repack_body(u_ref, v_ref, o_ref):
    E = u_ref.shape[0]
    eye = (lax.broadcasted_iota(jnp.int32, (E, E), 0)
           == lax.broadcasted_iota(jnp.int32, (E, E), 1)).astype(jnp.float32)
    dn = (((0,), (0,)), ((), ()))
    ut = lax.dot_general(u_ref[...], eye, dn, preferred_element_type=jnp.float32)
    vt = lax.dot_general(v_ref[...], eye, dn, preferred_element_type=jnp.float32)
    o_ref[...] = jnp.concatenate([ut, vt], axis=1)


def _repack(uT, vT, bc):
    E, N = uT.shape
    grid = (N + bc - 1) // bc
    return pl.pallas_call(
        _repack_body,
        grid=(grid,),
        in_specs=[
            pl.BlockSpec((E, bc), lambda i: (0, i)),
            pl.BlockSpec((E, bc), lambda i: (0, i)),
        ],
        out_specs=pl.BlockSpec((bc, 2 * E), lambda i: (i, 0)),
        out_shape=jax.ShapeDtypeStruct((N, 2 * E), jnp.float32),
        compiler_params=pltpu.CompilerParams(vmem_limit_bytes=60*1024*1024),
    )(uT, vT)


def _make_sc_gather(B, E2):
    bpw = B // NW
    kch = bpw // CHUNK
    mesh = plsc.VectorSubcoreMesh(
        core_axis_name="c", subcore_axis_name="s", num_cores=NC, num_subcores=NS
    )

    @functools.partial(
        pl.kernel,
        out_type=(
            jax.ShapeDtypeStruct((B, E2), jnp.float32),
            jax.ShapeDtypeStruct((B, E2), jnp.float32),
        ),
        mesh=mesh,
        compiler_params=pltpu.CompilerParams(use_tc_tiling_on_sc=False),
        scratch_types=[
            pltpu.VMEM((kch, CHUNK), jnp.int32),
            pltpu.VMEM((kch, CHUNK), jnp.int32),
            pltpu.VMEM((bpw, E2), jnp.float32),
            pltpu.SemaphoreType.DMA,
        ],
    )
    def sc_gather(user_hbm, item_hbm, rt_hbm, u_out, v_out,
                  uidx_v, iidx_v, rows_v, sem):
        wid = lax.axis_index("s") * NC + lax.axis_index("c")
        base = wid * bpw
        rb = wid * kch
        pltpu.sync_copy(user_hbm.at[pl.ds(rb, kch)], uidx_v)
        pltpu.sync_copy(item_hbm.at[pl.ds(rb, kch)], iidx_v)
        cps = []
        for j in range(kch):
            cps.append(pltpu.async_copy(
                rt_hbm.at[uidx_v.at[j]],
                rows_v.at[pl.ds(j * CHUNK, CHUNK)], sem))
        for c in cps:
            c.wait()
        pltpu.sync_copy(rows_v, u_out.at[pl.ds(base, bpw)])
        cps = []
        for j in range(kch):
            cps.append(pltpu.async_copy(
                rt_hbm.at[iidx_v.at[j]],
                rows_v.at[pl.ds(j * CHUNK, CHUNK)], sem))
        for c in cps:
            c.wait()
        pltpu.sync_copy(rows_v, v_out.at[pl.ds(base, bpw)])

    return sc_gather


def _mlp_body(gu_ref, gv_ref, w1u_ref, w1v_ref, b1_ref, w2_ref, b2_ref,
              w3_ref, b3_ref, w4_ref, b4_ref, o_ref):
    E = w1u_ref.shape[0]
    u = gu_ref[:, :E]
    v = gv_ref[:, E:]
    x = jnp.dot(u, w1u_ref[...], preferred_element_type=jnp.float32)
    x = x + jnp.dot(v, w1v_ref[...], preferred_element_type=jnp.float32)
    x = jnp.maximum(x + b1_ref[...], 0.0)
    x = jnp.dot(x, w2_ref[...], preferred_element_type=jnp.float32)
    x = jnp.maximum(x + b2_ref[...], 0.0)
    x = jnp.dot(x, w3_ref[...], preferred_element_type=jnp.float32)
    x = jnp.maximum(x + b3_ref[...], 0.0)
    o_ref[...] = jnp.sum(x * w4_ref[...], axis=1, keepdims=True) + b4_ref[...]


def _mlp(gu, gv, w1u, w1v, b1, w2, b2, w3, b3, w4, b4, bblk):
    B, E2 = gu.shape
    grid = B // bblk
    full = lambda shape: pl.BlockSpec(shape, lambda i: (0, 0))
    return pl.pallas_call(
        _mlp_body,
        grid=(grid,),
        in_specs=[
            pl.BlockSpec((bblk, E2), lambda i: (i, 0)),
            pl.BlockSpec((bblk, E2), lambda i: (i, 0)),
            full(w1u.shape), full(w1v.shape), full(b1.shape),
            full(w2.shape), full(b2.shape),
            full(w3.shape), full(b3.shape),
            full(w4.shape), full(b4.shape),
        ],
        out_specs=pl.BlockSpec((bblk, 1), lambda i: (i, 0)),
        out_shape=jax.ShapeDtypeStruct((B, 1), jnp.float32),
    )(gu, gv, w1u, w1v, b1, w2, b2, w3, b3, w4, b4)


def kernel(user, item, user_emb, item_emb, W1, b1, W2, b2, W3, b3, W4, b4):
    B = user.shape[0]
    E = user_emb.shape[1]
    rt = _repack(user_emb.T, item_emb.T, bc=20480)
    user2 = user.astype(jnp.int32).reshape(B // CHUNK, CHUNK)
    item2 = item.astype(jnp.int32).reshape(B // CHUNK, CHUNK)
    gu, gv = _make_sc_gather(B, 2 * E)(user2, item2, rt)
    out = _mlp(
        gu, gv,
        W1[:, :E].T, W1[:, E:].T, b1.reshape(1, -1),
        W2.T, b2.reshape(1, -1),
        W3.T, b3.reshape(1, -1),
        W4.reshape(1, -1), b4.reshape(1, 1),
        bblk=4096,
    )
    return out.reshape(B)

# --- scband reference (transcript-rebuilt; emitter-appended) ---
"""Pipeline reference for scband-ncf-5342939316816 (READ-ONLY COPY).

The authoritative reference and input builder live on the scoring server;
editing this copy changes nothing except your own understanding.
"""

import jax, jax.numpy as jnp
import numpy as np

NUM_USERS = 1000000
NUM_ITEMS = 1000000
EMB = 64
BATCH = 16384


def setup_inputs(seed: int = 0) -> dict:
    key = jax.random.key(seed)
    ks = jax.random.split(key, 12)
    user = jax.random.randint(ks[0], (BATCH,), 0, NUM_USERS, dtype=jnp.int64 if jax.config.jax_enable_x64 else jnp.int32)
    item = jax.random.randint(ks[1], (BATCH,), 0, NUM_ITEMS, dtype=jnp.int64 if jax.config.jax_enable_x64 else jnp.int32)
    user_emb = jax.random.normal(ks[2], (NUM_USERS, EMB), dtype=jnp.float32) * 0.02
    item_emb = jax.random.normal(ks[3], (NUM_ITEMS, EMB), dtype=jnp.float32) * 0.02
    # MLP: Linear(128,128) -> ReLU -> Linear(128,64) -> ReLU -> Linear(64,32) -> ReLU -> Linear(32,1)
    W1 = jax.random.normal(ks[4], (128, 2 * EMB), dtype=jnp.float32) * (1.0 / np.sqrt(2 * EMB))
    b1 = jnp.zeros((128,), dtype=jnp.float32)
    W2 = jax.random.normal(ks[5], (64, 128), dtype=jnp.float32) * (1.0 / np.sqrt(128))
    b2 = jnp.zeros((64,), dtype=jnp.float32)
    W3 = jax.random.normal(ks[6], (32, 64), dtype=jnp.float32) * (1.0 / np.sqrt(64))
    b3 = jnp.zeros((32,), dtype=jnp.float32)
    W4 = jax.random.normal(ks[7], (1, 32), dtype=jnp.float32) * (1.0 / np.sqrt(32))
    b4 = jnp.zeros((1,), dtype=jnp.float32)
    return {"user": user, "item": item, "user_emb": user_emb, "item_emb": item_emb,
            "W1": W1, "b1": b1, "W2": W2, "b2": b2, "W3": W3, "b3": b3, "W4": W4, "b4": b4}


def reference(user, item, user_emb, item_emb, W1, b1, W2, b2, W3, b3, W4, b4):
    u = jnp.take(user_emb, user, axis=0)
    v = jnp.take(item_emb, item, axis=0)
    x = jnp.concatenate([u, v], axis=-1)
    x = jax.nn.relu(x @ W1.T + b1)  # dropout is identity in eval
    x = jax.nn.relu(x @ W2.T + b2)
    x = jax.nn.relu(x @ W3.T + b3)
    x = x @ W4.T + b4
    return jnp.squeeze(x, axis=-1)

if __name__ == "__main__":
    import jax
    _d = setup_inputs()
    print(jax.jit(kernel)(*tuple(_d.values())))

</pallas_src>

<mosaic_0001>
#map = affine_map<(d0, d1) -> (0, 0)>
module attributes {stable_mosaic.version = 14 : i64} {
  func.func @sc_gather(%arg0: i32, %arg1: i32, %arg2: memref<128x128xi32, #tpu.memory_space<hbm>>, %arg3: memref<128x128xi32, #tpu.memory_space<hbm>>, %arg4: memref<1000000x128xf32, #tpu.memory_space<hbm>>, %arg5: memref<16384x128xf32, #tpu.memory_space<hbm>>, %arg6: memref<16384x128xf32, #tpu.memory_space<hbm>>, %arg7: memref<4x128xi32, #tpu.memory_space<vmem>>, %arg8: memref<4x128xi32, #tpu.memory_space<vmem>>, %arg9: memref<512x128xf32, #tpu.memory_space<vmem>>, %arg10: memref<!tpu.dma_semaphore, #tpu.memory_space<semaphore_mem>>) attributes {dimension_semantics = [#tpu.dimension_semantics<core_parallel>, #tpu.dimension_semantics<subcore_parallel>], iteration_bounds = array<i64: 2, 16>, scalar_prefetch = 0 : i64, scratch_operands = 4 : i64, tpu.core_type = #tpu.core_type<sc_vector_subcore>, window_params = [{transform_indices = #map}, {transform_indices = #map}, {transform_indices = #map}, {transform_indices = #map}, {transform_indices = #map}]} {
    %mul3A = arith.constant 2 : i32
    %mul3A_0 = arith.muli %arg1, %mul3A : i32
    %add3A = arith.addi %mul3A_0, %arg0 : i32
    %mul3A_1 = arith.constant 512 : i32
    %mul3A_2 = arith.muli %add3A, %mul3A_1 : i32
    %mul3A_3 = arith.constant 4 : i32
    %mul3A_4 = arith.muli %add3A, %mul3A_3 : i32
    "tpu.region"() ({
      %run_scoped3A = tpu.sem_alloc : memref<!tpu.dma_semaphore, #tpu.memory_space<semaphore_mem>>
      %dma_start3A_163 = arith.constant 0 : i32
      %dma_start3A_164 = tpu.memref_slice %arg2[%mul3A_4, %dma_start3A_163] : memref<128x128xi32, #tpu.memory_space<hbm>> -> memref<4x128xi32, #tpu.memory_space<hbm>>
      %dma_start3A_165 = arith.constant 0 : i32
      %dma_start3A_166 = tpu.memref_slice %arg2[%mul3A_4, %dma_start3A_165] : memref<128x128xi32, #tpu.memory_space<hbm>> -> memref<4x128xi32, #tpu.memory_space<hbm>>
      tpu.enqueue_dma source(%dma_start3A_166 : memref<4x128xi32, #tpu.memory_space<hbm>>) target(%arg7 : memref<4x128xi32, #tpu.memory_space<vmem>>) target_semaphore(%run_scoped3A : memref<!tpu.dma_semaphore, #tpu.memory_space<semaphore_mem>>)
      %dma_wait3A_167 = arith.constant 0 : i32
      %dma_wait3A_168 = tpu.memref_slice %arg2[%mul3A_4, %dma_wait3A_167] : memref<128x128xi32, #tpu.memory_space<hbm>> -> memref<4x128xi32, #tpu.memory_space<hbm>>
      %dma_wait3A_169 = arith.constant 0 : i32
      %dma_wait3A_170 = tpu.memref_slice %arg2[%mul3A_4, %dma_wait3A_169] : memref<128x128xi32, #tpu.memory_space<hbm>> -> memref<4x128xi32, #tpu.memory_space<hbm>>
      tpu.wait_dma2 semaphore(%run_scoped3A : memref<!tpu.dma_semaphore, #tpu.memory_space<semaphore_mem>>) src(%dma_wait3A_170 : memref<4x128xi32, #tpu.memory_space<hbm>>) dst(%arg7 : memref<4x128xi32, #tpu.memory_space<vmem>>)
      tpu.yield
    }) : () -> ()
    "tpu.region"() ({
      %run_scoped3A = tpu.sem_alloc : memref<!tpu.dma_semaphore, #tpu.memory_space<semaphore_mem>>
      %dma_start3A_163 = arith.constant 0 : i32
      %dma_start3A_164 = tpu.memref_slice %arg3[%mul3A_4, %dma_start3A_163] : memref<128x128xi32, #tpu.memory_space<hbm>> -> memref<4x128xi32, #tpu.memory_space<hbm>>
      %dma_start3A_165 = arith.constant 0 : i32
      %dma_start3A_166 = tpu.memref_slice %arg3[%mul3A_4, %dma_start3A_165] : memref<128x128xi32, #tpu.memory_space<hbm>> -> memref<4x128xi32, #tpu.memory_space<hbm>>
      tpu.enqueue_dma source(%dma_start3A_166 : memref<4x128xi32, #tpu.memory_space<hbm>>) target(%arg8 : memref<4x128xi32, #tpu.memory_space<vmem>>) target_semaphore(%run_scoped3A : memref<!tpu.dma_semaphore, #tpu.memory_space<semaphore_mem>>)
      %dma_wait3A_167 = arith.constant 0 : i32
      %dma_wait3A_168 = tpu.memref_slice %arg3[%mul3A_4, %dma_wait3A_167] : memref<128x128xi32, #tpu.memory_space<hbm>> -> memref<4x128xi32, #tpu.memory_space<hbm>>
      %dma_wait3A_169 = arith.constant 0 : i32
      %dma_wait3A_170 = tpu.memref_slice %arg3[%mul3A_4, %dma_wait3A_169] : memref<128x128xi32, #tpu.memory_space<hbm>> -> memref<4x128xi32, #tpu.memory_space<hbm>>
      tpu.wait_dma2 semaphore(%run_scoped3A : memref<!tpu.dma_semaphore, #tpu.memory_space<semaphore_mem>>) src(%dma_wait3A_170 : memref<4x128xi32, #tpu.memory_space<hbm>>) dst(%arg8 : memref<4x128xi32, #tpu.memory_space<vmem>>)
      tpu.yield
    }) : () -> ()
    %dma_start3A = arith.constant 0 : i32
    %dma_start3A_5 = arith.constant 0 : i32
    %dma_start3A_6 = arith.constant 0 : i32
    %dma_start3A_7 = tpu.memref_slice %arg9[%dma_start3A_5, %dma_start3A_6] : memref<512x128xf32, #tpu.memory_space<vmem>> -> memref<128x128xf32, #tpu.memory_space<vmem>>
    %dma_start3A_8 = arith.constant 0 : i32
    %dma_start3A_9 = tpu.memref_slice %arg7[%dma_start3A, %dma_start3A_8] : memref<4x128xi32, #tpu.memory_space<vmem>> -> memref<1x128xi32, #tpu.memory_space<vmem>>
    %dma_start3A_10 = tpu.memref_squeeze %dma_start3A_9 : memref<1x128xi32, #tpu.memory_space<vmem>> -> memref<128xi32, #tpu.memory_space<vmem>>
    %dma_start3A_11 = arith.constant 0 : i32
    %dma_start3A_12 = arith.constant 0 : i32
    %dma_start3A_13 = tpu.memref_slice %arg4[%dma_start3A_11, %dma_start3A_12] : memref<1000000x128xf32, #tpu.memory_space<hbm>> -> memref<1000000x128xf32, #tpu.memory_space<hbm>>
    tpu.enqueue_indirect_dma source(%dma_start3A_13 : memref<1000000x128xf32, #tpu.memory_space<hbm>>) target(%dma_start3A_7 : memref<128x128xf32, #tpu.memory_space<vmem>>) offsets(%dma_start3A_10 : memref<128xi32, #tpu.memory_space<vmem>>) semaphore(%arg10 : memref<!tpu.dma_semaphore, #tpu.memory_space<semaphore_mem>>)
    %dma_start3A_14 = arith.constant 1 : i32
    %dma_start3A_15 = arith.constant 128 : i32
    %dma_start3A_16 = arith.constant 0 : i32
    %dma_start3A_17 = tpu.memref_slice %arg9[%dma_start3A_15, %dma_start3A_16] : memref<512x128xf32, #tpu.memory_space<vmem>> -> memref<128x128xf32, #tpu.memory_space<vmem>>
    %dma_start3A_18 = arith.constant 0 : i32
    %dma_start3A_19 = tpu.memref_slice %arg7[%dma_start3A_14, %dma_start3A_18] : memref<4x128xi32, #tpu.memory_space<vmem>> -> memref<1x128xi32, #tpu.memory_space<vmem>>
    %dma_start3A_20 = tpu.memref_squeeze %dma_start3A_19 : memref<1x128xi32, #tpu.memory_space<vmem>> -> memref<128xi32, #tpu.memory_space<vmem>>
    %dma_start3A_21 = arith.constant 0 : i32
    %dma_start3A_22 = arith.constant 0 : i32
    %dma_start3A_23 = tpu.memref_slice %arg4[%dma_start3A_21, %dma_start3A_22] : memref<1000000x128xf32, #tpu.memory_space<hbm>> -> memref<1000000x128xf32, #tpu.memory_space<hbm>>
    tpu.enqueue_indirect_dma source(%dma_start3A_23 : memref<1000000x128xf32, #tpu.memory_space<hbm>>) target(%dma_start3A_17 : memref<128x128xf32, #tpu.memory_space<vmem>>) offsets(%dma_start3A_20 : memref<128xi32, #tpu.memory_space<vmem>>) semaphore(%arg10 : memref<!tpu.dma_semaphore, #tpu.memory_space<semaphore_mem>>)
    %dma_start3A_24 = arith.constant 2 : i32
    %dma_start3A_25 = arith.constant 256 : i32
    %dma_start3A_26 = arith.constant 0 : i32
    %dma_start3A_27 = tpu.memref_slice %arg9[%dma_start3A_25, %dma_start3A_26] : memref<512x128xf32, #tpu.memory_space<vmem>> -> memref<128x128xf32, #tpu.memory_space<vmem>>
    %dma_start3A_28 = arith.constant 0 : i32
    %dma_start3A_29 = tpu.memref_slice %arg7[%dma_start3A_24, %dma_start3A_28] : memref<4x128xi32, #tpu.memory_space<vmem>> -> memref<1x128xi32, #tpu.memory_space<vmem>>
    %dma_start3A_30 = tpu.memref_squeeze %dma_start3A_29 : memref<1x128xi32, #tpu.memory_space<vmem>> -> memref<128xi32, #tpu.memory_space<vmem>>
    %dma_start3A_31 = arith.constant 0 : i32
    %dma_start3A_32 = arith.constant 0 : i32
    %dma_start3A_33 = tpu.memref_slice %arg4[%dma_start3A_31, %dma_start3A_32] : memref<1000000x128xf32, #tpu.memory_space<hbm>> -> memref<1000000x128xf32, #tpu.memory_space<hbm>>
    tpu.enqueue_indirect_dma source(%dma_start3A_33 : memref<1000000x128xf32, #tpu.memory_space<hbm>>) target(%dma_start3A_27 : memref<128x128xf32, #tpu.memory_space<vmem>>) offsets(%dma_start3A_30 : memref<128xi32, #tpu.memory_space<vmem>>) semaphore(%arg10 : memref<!tpu.dma_semaphore, #tpu.memory_space<semaphore_mem>>)
    %dma_start3A_34 = arith.constant 3 : i32
    %dma_start3A_35 = arith.constant 384 : i32
    %dma_start3A_36 = arith.constant 0 : i32
    %dma_start3A_37 = tpu.memref_slice %arg9[%dma_start3A_35, %dma_start3A_36] : memref<512x128xf32, #tpu.memory_space<vmem>> -> memref<128x128xf32, #tpu.memory_space<vmem>>
    %dma_start3A_38 = arith.constant 0 : i32
    %dma_start3A_39 = tpu.memref_slice %arg7[%dma_start3A_34, %dma_start3A_38] : memref<4x128xi32, #tpu.memory_space<vmem>> -> memref<1x128xi32, #tpu.memory_space<vmem>>
    %dma_start3A_40 = tpu.memref_squeeze %dma_start3A_39 : memref<1x128xi32, #tpu.memory_space<vmem>> -> memref<128xi32, #tpu.memory_space<vmem>>
    %dma_start3A_41 = arith.constant 0 : i32
    %dma_start3A_42 = arith.constant 0 : i32
    %dma_start3A_43 = tpu.memref_slice %arg4[%dma_start3A_41, %dma_start3A_42] : memref<1000000x128xf32, #tpu.memory_space<hbm>> -> memref<1000000x128xf32, #tpu.memory_space<hbm>>
    tpu.enqueue_indirect_dma source(%dma_start3A_43 : memref<1000000x128xf32, #tpu.memory_space<hbm>>) target(%dma_start3A_37 : memref<128x128xf32, #tpu.memory_space<vmem>>) offsets(%dma_start3A_40 : memref<128xi32, #tpu.memory_space<vmem>>) semaphore(%arg10 : memref<!tpu.dma_semaphore, #tpu.memory_space<semaphore_mem>>)
    %dma_wait3A = arith.constant 0 : i32
    %dma_wait3A_44 = arith.constant 0 : i32
    %dma_wait3A_45 = arith.constant 0 : i32
    %dma_wait3A_46 = tpu.memref_slice %arg9[%dma_wait3A_44, %dma_wait3A_45] : memref<512x128xf32, #tpu.memory_space<vmem>> -> memref<128x128xf32, #tpu.memory_space<vmem>>
    %dma_wait3A_47 = arith.constant 0 : i32
    %dma_wait3A_48 = tpu.memref_slice %arg7[%dma_wait3A, %dma_wait3A_47] : memref<4x128xi32, #tpu.memory_space<vmem>> -> memref<1x128xi32, #tpu.memory_space<vmem>>
    %dma_wait3A_49 = tpu.memref_squeeze %dma_wait3A_48 : memref<1x128xi32, #tpu.memory_space<vmem>> -> memref<128xi32, #tpu.memory_space<vmem>>
    %dma_wait3A_50 = arith.constant 0 : i32
    %dma_wait3A_51 = arith.constant 0 : i32
    %dma_wait3A_52 = tpu.memref_slice %arg4[%dma_wait3A_50, %dma_wait3A_51] : memref<1000000x128xf32, #tpu.memory_space<hbm>> -> memref<1000000x128xf32, #tpu.memory_space<hbm>>
    tpu.wait_indirect_dma semaphore(%arg10 : memref<!tpu.dma_semaphore, #tpu.memory_space<semaphore_mem>>) src(%dma_wait3A_52 : memref<1000000x128xf32, #tpu.memory_space<hbm>>) dst(%dma_wait3A_46 : memref<128x128xf32, #tpu.memory_space<vmem>>)
    %dma_wait3A_53 = arith.constant 1 : i32
    %dma_wait3A_54 = arith.constant 128 : i32
    %dma_wait3A_55 = arith.constant 0 : i32
    %dma_wait3A_56 = tpu.memref_slice %arg9[%dma_wait3A_54, %dma_wait3A_55] : memref<512x128xf32, #tpu.memory_space<vmem>> -> memref<128x128xf32, #tpu.memory_space<vmem>>
    %dma_wait3A_57 = arith.constant 0 : i32
    %dma_wait3A_58 = tpu.memref_slice %arg7[%dma_wait3A_53, %dma_wait3A_57] : memref<4x128xi32, #tpu.memory_space<vmem>> -> memref<1x128xi32, #tpu.memory_space<vmem>>
    %dma_wait3A_59 = tpu.memref_squeeze %dma_wait3A_58 : memref<1x128xi32, #tpu.memory_space<vmem>> -> memref<128xi32, #tpu.memory_space<vmem>>
    %dma_wait3A_60 = arith.constant 0 : i32
    %dma_wait3A_61 = arith.constant 0 : i32
    %dma_wait3A_62 = tpu.memref_slice %arg4[%dma_wait3A_60, %dma_wait3A_61] : memref<1000000x128xf32, #tpu.memory_space<hbm>> -> memref<1000000x128xf32, #tpu.memory_space<hbm>>
    tpu.wait_indirect_dma semaphore(%arg10 : memref<!tpu.dma_semaphore, #tpu.memory_space<semaphore_mem>>) src(%dma_wait3A_62 : memref<1000000x128xf32, #tpu.memory_space<hbm>>) dst(%dma_wait3A_56 : memref<128x128xf32, #tpu.memory_space<vmem>>)
    %dma_wait3A_63 = arith.constant 2 : i32
    %dma_wait3A_64 = arith.constant 256 : i32
    %dma_wait3A_65 = arith.constant 0 : i32
    %dma_wait3A_66 = tpu.memref_slice %arg9[%dma_wait3A_64, %dma_wait3A_65] : memref<512x128xf32, #tpu.memory_space<vmem>> -> memref<128x128xf32, #tpu.memory_space<vmem>>
    %dma_wait3A_67 = arith.constant 0 : i32
    %dma_wait3A_68 = tpu.memref_slice %arg7[%dma_wait3A_63, %dma_wait3A_67] : memref<4x128xi32, #tpu.memory_space<vmem>> -> memref<1x128xi32, #tpu.memory_space<vmem>>
    %dma_wait3A_69 = tpu.memref_squeeze %dma_wait3A_68 : memref<1x128xi32, #tpu.memory_space<vmem>> -> memref<128xi32, #tpu.memory_space<vmem>>
    %dma_wait3A_70 = arith.constant 0 : i32
    %dma_wait3A_71 = arith.constant 0 : i32
    %dma_wait3A_72 = tpu.memref_slice %arg4[%dma_wait3A_70, %dma_wait3A_71] : memref<1000000x128xf32, #tpu.memory_space<hbm>> -> memref<1000000x128xf32, #tpu.memory_space<hbm>>
    tpu.wait_indirect_dma semaphore(%arg10 : memref<!tpu.dma_semaphore, #tpu.memory_space<semaphore_mem>>) src(%dma_wait3A_72 : memref<1000000x128xf32, #tpu.memory_space<hbm>>) dst(%dma_wait3A_66 : memref<128x128xf32, #tpu.memory_space<vmem>>)
    %dma_wait3A_73 = arith.constant 3 : i32
    %dma_wait3A_74 = arith.constant 384 : i32
    %dma_wait3A_75 = arith.constant 0 : i32
    %dma_wait3A_76 = tpu.memref_slice %arg9[%dma_wait3A_74, %dma_wait3A_75] : memref<512x128xf32, #tpu.memory_space<vmem>> -> memref<128x128xf32, #tpu.memory_space<vmem>>
    %dma_wait3A_77 = arith.constant 0 : i32
    %dma_wait3A_78 = tpu.memref_slice %arg7[%dma_wait3A_73, %dma_wait3A_77] : memref<4x128xi32, #tpu.memory_space<vmem>> -> memref<1x128xi32, #tpu.memory_space<vmem>>
    %dma_wait3A_79 = tpu.memref_squeeze %dma_wait3A_78 : memref<1x128xi32, #tpu.memory_space<vmem>> -> memref<128xi32, #tpu.memory_space<vmem>>
    %dma_wait3A_80 = arith.constant 0 : i32
    %dma_wait3A_81 = arith.constant 0 : i32
    %dma_wait3A_82 = tpu.memref_slice %arg4[%dma_wait3A_80, %dma_wait3A_81] : memref<1000000x128xf32, #tpu.memory_space<hbm>> -> memref<1000000x128xf32, #tpu.memory_space<hbm>>
    tpu.wait_indirect_dma semaphore(%arg10 : memref<!tpu.dma_semaphore, #tpu.memory_space<semaphore_mem>>) src(%dma_wait3A_82 : memref<1000000x128xf32, #tpu.memory_space<hbm>>) dst(%dma_wait3A_76 : memref<128x128xf32, #tpu.memory_space<vmem>>)
    "tpu.region"() ({
      %run_scoped3A = tpu.sem_alloc : memref<!tpu.dma_semaphore, #tpu.memory_space<semaphore_mem>>
      %dma_start3A_163 = arith.constant 0 : i32
      %dma_start3A_164 = tpu.memref_slice %arg5[%mul3A_2, %dma_start3A_163] : memref<16384x128xf32, #tpu.memory_space<hbm>> -> memref<512x128xf32, #tpu.memory_space<hbm>>
      %dma_start3A_165 = arith.constant 0 : i32
      %dma_start3A_166 = tpu.memref_slice %arg5[%mul3A_2, %dma_start3A_165] : memref<16384x128xf32, #tpu.memory_space<hbm>> -> memref<512x128xf32, #tpu.memory_space<hbm>>
      tpu.enqueue_dma source(%arg9 : memref<512x128xf32, #tpu.memory_space<vmem>>) target(%dma_start3A_166 : memref<512x128xf32, #tpu.memory_space<hbm>>) target_semaphore(%run_scoped3A : memref<!tpu.dma_semaphore, #tpu.memory_space<semaphore_mem>>)
      %dma_wait3A_167 = arith.constant 0 : i32
      %dma_wait3A_168 = tpu.memref_slice %arg5[%mul3A_2, %dma_wait3A_167] : memref<16384x128xf32, #tpu.memory_space<hbm>> -> memref<512x128xf32, #tpu.memory_space<hbm>>
      %dma_wait3A_169 = arith.constant 0 : i32
      %dma_wait3A_170 = tpu.memref_slice %arg5[%mul3A_2, %dma_wait3A_169] : memref<16384x128xf32, #tpu.memory_space<hbm>> -> memref<512x128xf32, #tpu.memory_space<hbm>>
      tpu.wait_dma2 semaphore(%run_scoped3A : memref<!tpu.dma_semaphore, #tpu.memory_space<semaphore_mem>>) src(%arg9 : memref<512x128xf32, #tpu.memory_space<vmem>>) dst(%dma_wait3A_170 : memref<512x128xf32, #tpu.memory_space<hbm>>)
      tpu.yield
    }) : () -> ()
    %dma_start3A_83 = arith.constant 0 : i32
    %dma_start3A_84 = arith.constant 0 : i32
    %dma_start3A_85 = arith.constant 0 : i32
    %dma_start3A_86 = tpu.memref_slice %arg9[%dma_start3A_84, %dma_start3A_85] : memref<512x128xf32, #tpu.memory_space<vmem>> -> memref<128x128xf32, #tpu.memory_space<vmem>>
    %dma_start3A_87 = arith.constant 0 : i32
    %dma_start3A_88 = tpu.memref_slice %arg8[%dma_start3A_83, %dma_start3A_87] : memref<4x128xi32, #tpu.memory_space<vmem>> -> memref<1x128xi32, #tpu.memory_space<vmem>>
    %dma_start3A_89 = tpu.memref_squeeze %dma_start3A_88 : memref<1x128xi32, #tpu.memory_space<vmem>> -> memref<128xi32, #tpu.memory_space<vmem>>
    %dma_start3A_90 = arith.constant 0 : i32
    %dma_start3A_91 = arith.constant 0 : i32
    %dma_start3A_92 = tpu.memref_slice %arg4[%dma_start3A_90, %dma_start3A_91] : memref<1000000x128xf32, #tpu.memory_space<hbm>> -> memref<1000000x128xf32, #tpu.memory_space<hbm>>
    tpu.enqueue_indirect_dma source(%dma_start3A_92 : memref<1000000x128xf32, #tpu.memory_space<hbm>>) target(%dma_start3A_86 : memref<128x128xf32, #tpu.memory_space<vmem>>) offsets(%dma_start3A_89 : memref<128xi32, #tpu.memory_space<vmem>>) semaphore(%arg10 : memref<!tpu.dma_semaphore, #tpu.memory_space<semaphore_mem>>)
    %dma_start3A_93 = arith.constant 1 : i32
    %dma_start3A_94 = arith.constant 128 : i32
    %dma_start3A_95 = arith.constant 0 : i32
    %dma_start3A_96 = tpu.memref_slice %arg9[%dma_start3A_94, %dma_start3A_95] : memref<512x128xf32, #tpu.memory_space<vmem>> -> memref<128x128xf32, #tpu.memory_space<vmem>>
    %dma_start3A_97 = arith.constant 0 : i32
    %dma_start3A_98 = tpu.memref_slice %arg8[%dma_start3A_93, %dma_start3A_97] : memref<4x128xi32, #tpu.memory_space<vmem>> -> memref<1x128xi32, #tpu.memory_space<vmem>>
    %dma_start3A_99 = tpu.memref_squeeze %dma_start3A_98 : memref<1x128xi32, #tpu.memory_space<vmem>> -> memref<128xi32, #tpu.memory_space<vmem>>
    %dma_start3A_100 = arith.constant 0 : i32
    %dma_start3A_101 = arith.constant 0 : i32
    %dma_start3A_102 = tpu.memref_slice %arg4[%dma_start3A_100, %dma_start3A_101] : memref<1000000x128xf32, #tpu.memory_space<hbm>> -> memref<1000000x128xf32, #tpu.memory_space<hbm>>
    tpu.enqueue_indirect_dma source(%dma_start3A_102 : memref<1000000x128xf32, #tpu.memory_space<hbm>>) target(%dma_start3A_96 : memref<128x128xf32, #tpu.memory_space<vmem>>) offsets(%dma_start3A_99 : memref<128xi32, #tpu.memory_space<vmem>>) semaphore(%arg10 : memref<!tpu.dma_semaphore, #tpu.memory_space<semaphore_mem>>)
    %dma_start3A_103 = arith.constant 2 : i32
    %dma_start3A_104 = arith.constant 256 : i32
    %dma_start3A_105 = arith.constant 0 : i32
    %dma_start3A_106 = tpu.memref_slice %arg9[%dma_start3A_104, %dma_start3A_105] : memref<512x128xf32, #tpu.memory_space<vmem>> -> memref<128x128xf32, #tpu.memory_space<vmem>>
    %dma_start3A_107 = arith.constant 0 : i32
    %dma_start3A_108 = tpu.memref_slice %arg8[%dma_start3A_103, %dma_start3A_107] : memref<4x128xi32, #tpu.memory_space<vmem>> -> memref<1x128xi32, #tpu.memory_space<vmem>>
    %dma_start3A_109 = tpu.memref_squeeze %dma_start3A_108 : memref<1x128xi32, #tpu.memory_space<vmem>> -> memref<128xi32, #tpu.memory_space<vmem>>
    %dma_start3A_110 = arith.constant 0 : i32
    %dma_start3A_111 = arith.constant 0 : i32
    %dma_start3A_112 = tpu.memref_slice %arg4[%dma_start3A_110, %dma_start3A_111] : memref<1000000x128xf32, #tpu.memory_space<hbm>> -> memref<1000000x128xf32, #tpu.memory_space<hbm>>
    tpu.enqueue_indirect_dma source(%dma_start3A_112 : memref<1000000x128xf32, #tpu.memory_space<hbm>>) target(%dma_start3A_106 : memref<128x128xf32, #tpu.memory_space<vmem>>) offsets(%dma_start3A_109 : memref<128xi32, #tpu.memory_space<vmem>>) semaphore(%arg10 : memref<!tpu.dma_semaphore, #tpu.memory_space<semaphore_mem>>)
    %dma_start3A_113 = arith.constant 3 : i32
    %dma_start3A_114 = arith.constant 384 : i32
    %dma_start3A_115 = arith.constant 0 : i32
    %dma_start3A_116 = tpu.memref_slice %arg9[%dma_start3A_114, %dma_start3A_115] : memref<512x128xf32, #tpu.memory_space<vmem>> -> memref<128x128xf32, #tpu.memory_space<vmem>>
    %dma_start3A_117 = arith.constant 0 : i32
    %dma_start3A_118 = tpu.memref_slice %arg8[%dma_start3A_113, %dma_start3A_117] : memref<4x128xi32, #tpu.memory_space<vmem>> -> memref<1x128xi32, #tpu.memory_space<vmem>>
    %dma_start3A_119 = tpu.memref_squeeze %dma_start3A_118 : memref<1x128xi32, #tpu.memory_space<vmem>> -> memref<128xi32, #tpu.memory_space<vmem>>
    %dma_start3A_120 = arith.constant 0 : i32
    %dma_start3A_121 = arith.constant 0 : i32
    %dma_start3A_122 = tpu.memref_slice %arg4[%dma_start3A_120, %dma_start3A_121] : memref<1000000x128xf32, #tpu.memory_space<hbm>> -> memref<1000000x128xf32, #tpu.memory_space<hbm>>
    tpu.enqueue_indirect_dma source(%dma_start3A_122 : memref<1000000x128xf32, #tpu.memory_space<hbm>>) target(%dma_start3A_116 : memref<128x128xf32, #tpu.memory_space<vmem>>) offsets(%dma_start3A_119 : memref<128xi32, #tpu.memory_space<vmem>>) semaphore(%arg10 : memref<!tpu.dma_semaphore, #tpu.memory_space<semaphore_mem>>)
    %dma_wait3A_123 = arith.constant 0 : i32
    %dma_wait3A_124 = arith.constant 0 : i32
    %dma_wait3A_125 = arith.constant 0 : i32
    %dma_wait3A_126 = tpu.memref_slice %arg9[%dma_wait3A_124, %dma_wait3A_125] : memref<512x128xf32, #tpu.memory_space<vmem>> -> memref<128x128xf32, #tpu.memory_space<vmem>>
    %dma_wait3A_127 = arith.constant 0 : i32
    %dma_wait3A_128 = tpu.memref_slice %arg8[%dma_wait3A_123, %dma_wait3A_127] : memref<4x128xi32, #tpu.memory_space<vmem>> -> memref<1x128xi32, #tpu.memory_space<vmem>>
    %dma_wait3A_129 = tpu.memref_squeeze %dma_wait3A_128 : memref<1x128xi32, #tpu.memory_space<vmem>> -> memref<128xi32, #tpu.memory_space<vmem>>
    %dma_wait3A_130 = arith.constant 0 : i32
    %dma_wait3A_131 = arith.constant 0 : i32
    %dma_wait3A_132 = tpu.memref_slice %arg4[%dma_wait3A_130, %dma_wait3A_131] : memref<1000000x128xf32, #tpu.memory_space<hbm>> -> memref<1000000x128xf32, #tpu.memory_space<hbm>>
    tpu.wait_indirect_dma semaphore(%arg10 : memref<!tpu.dma_semaphore, #tpu.memory_space<semaphore_mem>>) src(%dma_wait3A_132 : memref<1000000x128xf32, #tpu.memory_space<hbm>>) dst(%dma_wait3A_126 : memref<128x128xf32, #tpu.memory_space<vmem>>)
    %dma_wait3A_133 = arith.constant 1 : i32
    %dma_wait3A_134 = arith.constant 128 : i32
    %dma_wait3A_135 = arith.constant 0 : i32
    %dma_wait3A_136 = tpu.memref_slice %arg9[%dma_wait3A_134, %dma_wait3A_135] : memref<512x128xf32, #tpu.memory_space<vmem>> -> memref<128x128xf32, #tpu.memory_space<vmem>>
    %dma_wait3A_137 = arith.constant 0 : i32
    %dma_wait3A_138 = tpu.memref_slice %arg8[%dma_wait3A_133, %dma_wait3A_137] : memref<4x128xi32, #tpu.memory_space<vmem>> -> memref<1x128xi32, #tpu.memory_space<vmem>>
    %dma_wait3A_139 = tpu.memref_squeeze %dma_wait3A_138 : memref<1x128xi32, #tpu.memory_space<vmem>> -> memref<128xi32, #tpu.memory_space<vmem>>
    %dma_wait3A_140 = arith.constant 0 : i32
    %dma_wait3A_141 = arith.constant 0 : i32
    %dma_wait3A_142 = tpu.memref_slice %arg4[%dma_wait3A_140, %dma_wait3A_141] : memref<1000000x128xf32, #tpu.memory_space<hbm>> -> memref<1000000x128xf32, #tpu.memory_space<hbm>>
    tpu.wait_indirect_dma semaphore(%arg10 : memref<!tpu.dma_semaphore, #tpu.memory_space<semaphore_mem>>) src(%dma_wait3A_142 : memref<1000000x128xf32, #tpu.memory_space<hbm>>) dst(%dma_wait3A_136 : memref<128x128xf32, #tpu.memory_space<vmem>>)
    %dma_wait3A_143 = arith.constant 2 : i32
    %dma_wait3A_144 = arith.constant 256 : i32
    %dma_wait3A_145 = arith.constant 0 : i32
    %dma_wait3A_146 = tpu.memref_slice %arg9[%dma_wait3A_144, %dma_wait3A_145] : memref<512x128xf32, #tpu.memory_space<vmem>> -> memref<128x128xf32, #tpu.memory_space<vmem>>
    %dma_wait3A_147 = arith.constant 0 : i32
    %dma_wait3A_148 = tpu.memref_slice %arg8[%dma_wait3A_143, %dma_wait3A_147] : memref<4x128xi32, #tpu.memory_space<vmem>> -> memref<1x128xi32, #tpu.memory_space<vmem>>
    %dma_wait3A_149 = tpu.memref_squeeze %dma_wait3A_148 : memref<1x128xi32, #tpu.memory_space<vmem>> -> memref<128xi32, #tpu.memory_space<vmem>>
    %dma_wait3A_150 = arith.constant 0 : i32
    %dma_wait3A_151 = arith.constant 0 : i32
    %dma_wait3A_152 = tpu.memref_slice %arg4[%dma_wait3A_150, %dma_wait3A_151] : memref<1000000x128xf32, #tpu.memory_space<hbm>> -> memref<1000000x128xf32, #tpu.memory_space<hbm>>
    tpu.wait_indirect_dma semaphore(%arg10 : memref<!tpu.dma_semaphore, #tpu.memory_space<semaphore_mem>>) src(%dma_wait3A_152 : memref<1000000x128xf32, #tpu.memory_space<hbm>>) dst(%dma_wait3A_146 : memref<128x128xf32, #tpu.memory_space<vmem>>)
    %dma_wait3A_153 = arith.constant 3 : i32
    %dma_wait3A_154 = arith.constant 384 : i32
    %dma_wait3A_155 = arith.constant 0 : i32
    %dma_wait3A_156 = tpu.memref_slice %arg9[%dma_wait3A_154, %dma_wait3A_155] : memref<512x128xf32, #tpu.memory_space<vmem>> -> memref<128x128xf32, #tpu.memory_space<vmem>>
    %dma_wait3A_157 = arith.constant 0 : i32
    %dma_wait3A_158 = tpu.memref_slice %arg8[%dma_wait3A_153, %dma_wait3A_157] : memref<4x128xi32, #tpu.memory_space<vmem>> -> memref<1x128xi32, #tpu.memory_space<vmem>>
    %dma_wait3A_159 = tpu.memref_squeeze %dma_wait3A_158 : memref<1x128xi32, #tpu.memory_space<vmem>> -> memref<128xi32, #tpu.memory_space<vmem>>
    %dma_wait3A_160 = arith.constant 0 : i32
    %dma_wait3A_161 = arith.constant 0 : i32
    %dma_wait3A_162 = tpu.memref_slice %arg4[%dma_wait3A_160, %dma_wait3A_161] : memref<1000000x128xf32, #tpu.memory_space<hbm>> -> memref<1000000x128xf32, #tpu.memory_space<hbm>>
    tpu.wait_indirect_dma semaphore(%arg10 : memref<!tpu.dma_semaphore, #tpu.memory_space<semaphore_mem>>) src(%dma_wait3A_162 : memref<1000000x128xf32, #tpu.memory_space<hbm>>) dst(%dma_wait3A_156 : memref<128x128xf32, #tpu.memory_space<vmem>>)
    "tpu.region"() ({
      %run_scoped3A = tpu.sem_alloc : memref<!tpu.dma_semaphore, #tpu.memory_space<semaphore_mem>>
      %dma_start3A_163 = arith.constant 0 : i32
      %dma_start3A_164 = tpu.memref_slice %arg6[%mul3A_2, %dma_start3A_163] : memref<16384x128xf32, #tpu.memory_space<hbm>> -> memref<512x128xf32, #tpu.memory_space<hbm>>
      %dma_start3A_165 = arith.constant 0 : i32
      %dma_start3A_166 = tpu.memref_slice %arg6[%mul3A_2, %dma_start3A_165] : memref<16384x128xf32, #tpu.memory_space<hbm>> -> memref<512x128xf32, #tpu.memory_space<hbm>>
      tpu.enqueue_dma source(%arg9 : memref<512x128xf32, #tpu.memory_space<vmem>>) target(%dma_start3A_166 : memref<512x128xf32, #tpu.memory_space<hbm>>) target_semaphore(%run_scoped3A : memref<!tpu.dma_semaphore, #tpu.memory_space<semaphore_mem>>)
      %dma_wait3A_167 = arith.constant 0 : i32
      %dma_wait3A_168 = tpu.memref_slice %arg6[%mul3A_2, %dma_wait3A_167] : memref<16384x128xf32, #tpu.memory_space<hbm>> -> memref<512x128xf32, #tpu.memory_space<hbm>>
      %dma_wait3A_169 = arith.constant 0 : i32
      %dma_wait3A_170 = tpu.memref_slice %arg6[%mul3A_2, %dma_wait3A_169] : memref<16384x128xf32, #tpu.memory_space<hbm>> -> memref<512x128xf32, #tpu.memory_space<hbm>>
      tpu.wait_dma2 semaphore(%run_scoped3A : memref<!tpu.dma_semaphore, #tpu.memory_space<semaphore_mem>>) src(%arg9 : memref<512x128xf32, #tpu.memory_space<vmem>>) dst(%dma_wait3A_170 : memref<512x128xf32, #tpu.memory_space<hbm>>)
      tpu.yield
    }) : () -> ()
    return
  }
}

module attributes {stable_mosaic.version = 14 : i64} {
  func.func @_mlp_body(%arg0: i32, %arg1: memref<4096x128xf32, #tpu.memory_space<vmem>>, %arg2: memref<4096x128xf32, #tpu.memory_space<vmem>>, %arg3: memref<64x128xf32, #tpu.memory_space<vmem>>, %arg4: memref<64x128xf32, #tpu.memory_space<vmem>>, %arg5: memref<1x128xf32, #tpu.memory_space<vmem>>, %arg6: memref<128x64xf32, #tpu.memory_space<vmem>>, %arg7: memref<1x64xf32, #tpu.memory_space<vmem>>, %arg8: memref<64x32xf32, #tpu.memory_space<vmem>>, %arg9: memref<1x32xf32, #tpu.memory_space<vmem>>, %arg10: memref<1x32xf32, #tpu.memory_space<vmem>>, %arg11: memref<1x1xf32, #tpu.memory_space<vmem>>, %arg12: memref<4096x1xf32, #tpu.memory_space<vmem>>) attributes {dimension_semantics = [#tpu.dimension_semantics<arbitrary>], iteration_bounds = array<i64: 4>, scalar_prefetch = 0 : i64, scratch_operands = 0 : i64, tpu.core_type = #tpu.core_type<tc>, window_params = [{transform_indices = @transform_0, window_bounds = array<i64: 4096, 128>}, {transform_indices = @transform_1, window_bounds = array<i64: 4096, 128>}, {pipeline_mode = #tpu.pipeline_mode<synchronous>, transform_indices = @transform_2, window_bounds = array<i64: 64, 128>}, {pipeline_mode = #tpu.pipeline_mode<synchronous>, transform_indices = @transform_3, window_bounds = array<i64: 64, 128>}, {pipeline_mode = #tpu.pipeline_mode<synchronous>, transform_indices = @transform_4, window_bounds = array<i64: 1, 128>}, {pipeline_mode = #tpu.pipeline_mode<synchronous>, transform_indices = @transform_5, window_bounds = array<i64: 128, 64>}, {pipeline_mode = #tpu.pipeline_mode<synchronous>, transform_indices = @transform_6, window_bounds = array<i64: 1, 64>}, {pipeline_mode = #tpu.pipeline_mode<synchronous>, transform_indices = @transform_7, window_bounds = array<i64: 64, 32>}, {pipeline_mode = #tpu.pipeline_mode<synchronous>, transform_indices = @transform_8, window_bounds = array<i64: 1, 32>}, {pipeline_mode = #tpu.pipeline_mode<synchronous>, transform_indices = @transform_9, window_bounds = array<i64: 1, 32>}, {pipeline_mode = #tpu.pipeline_mode<synchronous>, transform_indices = @transform_10, window_bounds = array<i64: 1, 1>}, {transform_indices = @transform_11, window_bounds = array<i64: 4096, 1>}]} {
    %get3A = arith.constant 0 : index
    %get3A_0 = arith.constant 0 : index
    %get3A_1 = vector.load %arg1[%get3A, %get3A_0] : memref<4096x128xf32, #tpu.memory_space<vmem>>, vector<4096x64xf32>
    %get3A_2 = arith.constant 0 : index
    %get3A_3 = arith.constant 64 : index
    %get3A_4 = vector.load %arg2[%get3A_2, %get3A_3] : memref<4096x128xf32, #tpu.memory_space<vmem>>, vector<4096x64xf32>
    %get3A_5 = arith.constant 0 : index
    %get3A_6 = arith.constant 0 : index
    %get3A_7 = vector.load %arg3[%get3A_5, %get3A_6] : memref<64x128xf32, #tpu.memory_space<vmem>>, vector<64x128xf32>
    %dot_general3A = arith.constant dense<0.000000e+00> : vector<4096x128xf32>
    %dot_general3A_8 = tpu.matmul %get3A_1, %get3A_7, %dot_general3A {dimension_numbers = #tpu.dot_dimension_numbers<[1], [0], [0], [1], [0, 0, 1, 1], [], []>, transpose_lhs_hint = false} : vector<4096x64xf32>, vector<64x128xf32>, vector<4096x128xf32> -> vector<4096x128xf32>
    %get3A_9 = arith.constant 0 : index
    %get3A_10 = arith.constant 0 : index
    %get3A_11 = vector.load %arg4[%get3A_9, %get3A_10] : memref<64x128xf32, #tpu.memory_space<vmem>>, vector<64x128xf32>
    %dot_general3A_12 = arith.constant dense<0.000000e+00> : vector<4096x128xf32>
    %dot_general3A_13 = tpu.matmul %get3A_4, %get3A_11, %dot_general3A_12 {dimension_numbers = #tpu.dot_dimension_numbers<[1], [0], [0], [1], [0, 0, 1, 1], [], []>, transpose_lhs_hint = false} : vector<4096x64xf32>, vector<64x128xf32>, vector<4096x128xf32> -> vector<4096x128xf32>
    %add3A = arith.addf %dot_general3A_8, %dot_general3A_13 : vector<4096x128xf32>
    %get3A_14 = arith.constant 0 : index
    %get3A_15 = arith.constant 0 : index
    %get3A_16 = vector.load %arg5[%get3A_14, %get3A_15] : memref<1x128xf32, #tpu.memory_space<vmem>>, vector<1x128xf32>
    %add3A_17 = vector.broadcast %get3A_16 : vector<1x128xf32> to vector<4096x128xf32>
    %add3A_18 = arith.addf %add3A, %add3A_17 : vector<4096x128xf32>
    %max3A = arith.constant 0.000000e+00 : f32
    %max3A_19 = vector.broadcast %max3A : f32 to vector<4096x128xf32>
    %max3A_20 = arith.maximumf %add3A_18, %max3A_19 : vector<4096x128xf32>
    %get3A_21 = arith.constant 0 : index
    %get3A_22 = arith.constant 0 : index
    %get3A_23 = vector.load %arg6[%get3A_21, %get3A_22] : memref<128x64xf32, #tpu.memory_space<vmem>>, vector<128x64xf32>
    %dot_general3A_24 = arith.constant dense<0.000000e+00> : vector<4096x64xf32>
    %dot_general3A_25 = tpu.matmul %max3A_20, %get3A_23, %dot_general3A_24 {dimension_numbers = #tpu.dot_dimension_numbers<[1], [0], [0], [1], [0, 0, 1, 1], [], []>, transpose_lhs_hint = false} : vector<4096x128xf32>, vector<128x64xf32>, vector<4096x64xf32> -> vector<4096x64xf32>
    %get3A_26 = arith.constant 0 : index
    %get3A_27 = arith.constant 0 : index
    %get3A_28 = vector.load %arg7[%get3A_26, %get3A_27] : memref<1x64xf32, #tpu.memory_space<vmem>>, vector<1x64xf32>
    %add3A_29 = vector.broadcast %get3A_28 : vector<1x64xf32> to vector<4096x64xf32>
    %add3A_30 = arith.addf %dot_general3A_25, %add3A_29 : vector<4096x64xf32>
    %max3A_31 = arith.constant 0.000000e+00 : f32
    %max3A_32 = vector.broadcast %max3A_31 : f32 to vector<4096x64xf32>
    %max3A_33 = arith.maximumf %add3A_30, %max3A_32 : vector<4096x64xf32>
    %get3A_34 = arith.constant 0 : index
    %get3A_35 = arith.constant 0 : index
    %get3A_36 = vector.load %arg8[%get3A_34, %get3A_35] : memref<64x32xf32, #tpu.memory_space<vmem>>, vector<64x32xf32>
    %dot_general3A_37 = arith.constant dense<0.000000e+00> : vector<4096x32xf32>
    %dot_general3A_38 = tpu.matmul %max3A_33, %get3A_36, %dot_general3A_37 {dimension_numbers = #tpu.dot_dimension_numbers<[1], [0], [0], [1], [0, 0, 1, 1], [], []>, transpose_lhs_hint = false} : vector<4096x64xf32>, vector<64x32xf32>, vector<4096x32xf32> -> vector<4096x32xf32>
    %get3A_39 = arith.constant 0 : index
    %get3A_40 = arith.constant 0 : index
    %get3A_41 = vector.load %arg9[%get3A_39, %get3A_40] : memref<1x32xf32, #tpu.memory_space<vmem>>, vector<1x32xf32>
    %add3A_42 = vector.broadcast %get3A_41 : vector<1x32xf32> to vector<4096x32xf32>
    %add3A_43 = arith.addf %dot_general3A_38, %add3A_42 : vector<4096x32xf32>
    %max3A_44 = arith.constant 0.000000e+00 : f32
    %max3A_45 = vector.broadcast %max3A_44 : f32 to vector<4096x32xf32>
    %max3A_46 = arith.maximumf %add3A_43, %max3A_45 : vector<4096x32xf32>
    %get3A_47 = arith.constant 0 : index
    %get3A_48 = arith.constant 0 : index
    %get3A_49 = vector.load %arg10[%get3A_47, %get3A_48] : memref<1x32xf32, #tpu.memory_space<vmem>>, vector<1x32xf32>
    %mul3A = vector.broadcast %get3A_49 : vector<1x32xf32> to vector<4096x32xf32>
    %mul3A_50 = arith.mulf %max3A_46, %mul3A : vector<4096x32xf32>
    %reduce_sum3A = arith.constant dense<0.000000e+00> : vector<4096xf32>
    %reduce_sum3A_51 = vector.multi_reduction <add>, %mul3A_50, %reduce_sum3A [1] : vector<4096x32xf32> to vector<4096xf32>
    %broadcast_in_dim3A = vector.shape_cast %reduce_sum3A_51 : vector<4096xf32> to vector<4096x1xf32>
    %get3A_52 = arith.constant 0 : index
    %get3A_53 = arith.constant 0 : index
    %get3A_54 = vector.load %arg11[%get3A_52, %get3A_53] : memref<1x1xf32, #tpu.memory_space<vmem>>, vector<1x1xf32>
    %add3A_55 = vector.broadcast %get3A_54 : vector<1x1xf32> to vector<4096x1xf32>
    %add3A_56 = arith.addf %broadcast_in_dim3A, %add3A_55 : vector<4096x1xf32>
    %swap3A = arith.constant 0 : index
    %swap3A_57 = arith.constant 0 : index
    %swap3A_58 = vector.load %arg12[%swap3A, %swap3A_57] : memref<4096x1xf32, #tpu.memory_space<vmem>>, vector<4096x1xf32>
    tpu.vector_store %arg12[%swap3A, %swap3A_57], %add3A_56 {strides = array<i32>} : memref<4096x1xf32, #tpu.memory_space<vmem>>, vector<4096x1xf32>,
    return
  }
  func.func @transform_0(%arg0: i32) -> (i32, i32) {
    %c0_i32 = arith.constant 0 : i32
    %c0_i32_0 = arith.constant 0 : i32
    return %arg0, %c0_i32 : i32, i32
  }
  func.func @transform_1(%arg0: i32) -> (i32, i32) {
    %c0_i32 = arith.constant 0 : i32
    %c0_i32_0 = arith.constant 0 : i32
    return %arg0, %c0_i32 : i32, i32
  }
  func.func @transform_2(%arg0: i32) -> (i32, i32) {
    %c0_i32 = arith.constant 0 : i32
    %c0_i32_0 = arith.constant 0 : i32
    %c0_i32_1 = arith.constant 0 : i32
    return %c0_i32, %c0_i32_0 : i32, i32
  }
  func.func @transform_3(%arg0: i32) -> (i32, i32) {
    %c0_i32 = arith.constant 0 : i32
    %c0_i32_0 = arith.constant 0 : i32
    %c0_i32_1 = arith.constant 0 : i32
    return %c0_i32, %c0_i32_0 : i32, i32
  }
  func.func @transform_4(%arg0: i32) -> (i32, i32) {
    %c0_i32 = arith.constant 0 : i32
    %c0_i32_0 = arith.constant 0 : i32
    %c0_i32_1 = arith.constant 0 : i32
    return %c0_i32, %c0_i32_0 : i32, i32
  }
  func.func @transform_5(%arg0: i32) -> (i32, i32) {
    %c0_i32 = arith.constant 0 : i32
    %c0_i32_0 = arith.constant 0 : i32
    %c0_i32_1 = arith.constant 0 : i32
    return %c0_i32, %c0_i32_0 : i32, i32
  }
  func.func @transform_6(%arg0: i32) -> (i32, i32) {
    %c0_i32 = arith.constant 0 : i32
    %c0_i32_0 = arith.constant 0 : i32
    %c0_i32_1 = arith.constant 0 : i32
    return %c0_i32, %c0_i32_0 : i32, i32
  }
  func.func @transform_7(%arg0: i32) -> (i32, i32) {
    %c0_i32 = arith.constant 0 : i32
    %c0_i32_0 = arith.constant 0 : i32
    %c0_i32_1 = arith.constant 0 : i32
    return %c0_i32, %c0_i32_0 : i32, i32
  }
  func.func @transform_8(%arg0: i32) -> (i32, i32) {
    %c0_i32 = arith.constant 0 : i32
    %c0_i32_0 = arith.constant 0 : i32
    %c0_i32_1 = arith.constant 0 : i32
    return %c0_i32, %c0_i32_0 : i32, i32
  }
  func.func @transform_9(%arg0: i32) -> (i32, i32) {
    %c0_i32 = arith.constant 0 : i32
    %c0_i32_0 = arith.constant 0 : i32
    %c0_i32_1 = arith.constant 0 : i32
    return %c0_i32, %c0_i32_0 : i32, i32
  }
  func.func @transform_10(%arg0: i32) -> (i32, i32) {
    %c0_i32 = arith.constant 0 : i32
    %c0_i32_0 = arith.constant 0 : i32
    %c0_i32_1 = arith.constant 0 : i32
    return %c0_i32, %c0_i32_0 : i32, i32
  }
  func.func @transform_11(%arg0: i32) -> (i32, i32) {
    %c0_i32 = arith.constant 0 : i32
    %c0_i32_0 = arith.constant 0 : i32
    return %arg0, %c0_i32 : i32, i32
  }
}

module attributes {stable_mosaic.version = 14 : i64} {
  func.func @_repack_body(%arg0: i32, %arg1: memref<64x20480xf32, #tpu.memory_space<vmem>>, %arg2: memref<64x20480xf32, #tpu.memory_space<vmem>>, %arg3: memref<20480x128xf32, #tpu.memory_space<vmem>>) attributes {dimension_semantics = [#tpu.dimension_semantics<arbitrary>], iteration_bounds = array<i64: 49>, scalar_prefetch = 0 : i64, scratch_operands = 0 : i64, tpu.core_type = #tpu.core_type<tc>, window_params = [{transform_indices = @transform_0, window_bounds = array<i64: 64, 20480>}, {transform_indices = @transform_1, window_bounds = array<i64: 64, 20480>}, {transform_indices = @transform_2, window_bounds = array<i64: 20480, 128>}]} {
    %iota3A = tpu.iota {dimensions = array<i32: 0>} : vector<64x64xi32>
    %iota3A_0 = tpu.iota {dimensions = array<i32: 1>} : vector<64x64xi32>
    %eq3A = arith.cmpi eq, %iota3A, %iota3A_0 : vector<64x64xi32>
    %convert_element_type3A = arith.extui %eq3A : vector<64x64xi1> to vector<64x64xi32>
    %convert_element_type3A_1 = arith.sitofp %convert_element_type3A : vector<64x64xi32> to vector<64x64xf32>
    %get3A = arith.constant 0 : index
    %get3A_2 = arith.constant 0 : index
    %get3A_3 = vector.load %arg1[%get3A, %get3A_2] : memref<64x20480xf32, #tpu.memory_space<vmem>>, vector<64x20480xf32>
    %dot_general3A = arith.constant dense<0.000000e+00> : vector<20480x64xf32>
    %dot_general3A_4 = tpu.matmul %get3A_3, %convert_element_type3A_1, %dot_general3A {dimension_numbers = #tpu.dot_dimension_numbers<[0], [0], [1], [1], [0, 1, 1, 1], [], []>, transpose_lhs_hint = false} : vector<64x20480xf32>, vector<64x64xf32>, vector<20480x64xf32> -> vector<20480x64xf32>
    %get3A_5 = arith.constant 0 : index
    %get3A_6 = arith.constant 0 : index
    %get3A_7 = vector.load %arg2[%get3A_5, %get3A_6] : memref<64x20480xf32, #tpu.memory_space<vmem>>, vector<64x20480xf32>
    %dot_general3A_8 = arith.constant dense<0.000000e+00> : vector<20480x64xf32>
    %dot_general3A_9 = tpu.matmul %get3A_7, %convert_element_type3A_1, %dot_general3A_8 {dimension_numbers = #tpu.dot_dimension_numbers<[0], [0], [1], [1], [0, 1, 1, 1], [], []>, transpose_lhs_hint = false} : vector<64x20480xf32>, vector<64x64xf32>, vector<20480x64xf32> -> vector<20480x64xf32>
    %concatenate3A = tpu.concatenate %dot_general3A_4, %dot_general3A_9 in 1 : vector<20480x64xf32>, vector<20480x64xf32> -> vector<20480x128xf32>
    %swap3A = arith.constant 0 : index
    %swap3A_10 = arith.constant 0 : index
    %swap3A_11 = vector.load %arg3[%swap3A, %swap3A_10] : memref<20480x128xf32, #tpu.memory_space<vmem>>, vector<20480x128xf32>
    tpu.vector_store %arg3[%swap3A, %swap3A_10], %concatenate3A {strides = array<i32>} : memref<20480x128xf32, #tpu.memory_space<vmem>>, vector<20480x128xf32>,
    return
  }
  func.func @transform_0(%arg0: i32) -> (i32, i32) {
    %c0_i32 = arith.constant 0 : i32
    %c0_i32_0 = arith.constant 0 : i32
    return %c0_i32, %arg0 : i32, i32
  }
  func.func @transform_1(%arg0: i32) -> (i32, i32) {
    %c0_i32 = arith.constant 0 : i32
    %c0_i32_0 = arith.constant 0 : i32
    return %c0_i32, %arg0 : i32, i32
  }
  func.func @transform_2(%arg0: i32) -> (i32, i32) {
    %c0_i32 = arith.constant 0 : i32
    %c0_i32_0 = arith.constant 0 : i32
    return %arg0, %c0_i32 : i32, i32
  }
}

</mosaic_0001>

<sc_bundles>
// kernel: kernel.5.cloned.1.call-start
scs
__scs_entry_jumppad:
0x0: {  	(pc) =	sbr.rel $0x88, $3  }
0x1: {  	(tag) =	ssettag $0x0;
	lr =	simm.s32 $0x1  }
0x2: {  	[smem:$0x3F95] =	sst lr;
	_ =	strace $0xD0000000  }
0x3: {  	_ = 	snop  }
0x4: {  	_ = 	snop  }
0x5: {  	_ = 	snop  }
0x6: {  	_ = 	snop  }
0x7: {  	_ = 	snop  }
__scs_overlays_trampoline_lowered:
0x8: {  	[smem:$0x3FA4] =	sst s0  }
0x9: {  	[smem:$0x3FA5] =	sst s1  }
0xa: {  	[smem:$0x3FA6] =	sst s2  }
0xb: {  	[smem:$0x3FA7] =	sst s3  }
0xc: {  	[smem:$0x3FA8] =	sst s4  }
0xd: {  	[smem:$0x3FA9] =	sst s5  }
0xe: {  	[smem:$0x3FAA] =	sst s6  }
0xf: {  	[smem:$0x3FAB] =	sst s7  }
0x10: {  	[smem:$0x3FAC] =	sst s8  }
0x11: {  	[smem:$0x3FAD] =	sst s9;
	s0 =	simm.s32 @!p0 $0x0  }
0x12: {  	s1 =	sld [smem:$0x3F93];
	s0 =	simm.s32 @p0 $0x1  }
0x13: {  	[smem:$0x3FAE] =	sst s0;
	s0 =	simm.s32 @!p1 $0x0  }
0x14: {  	s2 =	sld [smem:$0x3F92];
	s0 =	simm.s32 @p1 $0x1  }
0x15: {  	[smem:$0x3FAF] =	sst s0;
	s0 =	simm.s32 @!p2 $0x0  }
0x16: {  	s3 =	sld [smem:$0x3FDB];
	s0 =	simm.s32 @p2 $0x1  }
0x17: {  	s4 =	simm.s32 $0x1BF5;
	[smem:$0x3FB1] =	sst s0  }
0x18: {  	s0 =	sld [smem:$0x3F94];
	_ =	swait.ge [sflag:s4], $0x0  }
0x19: {  	s7 =	sld [smem:$0x3F95]  }
0x1a: {  	s8 =	sadd.s32 $0xFFFFE003, lr  }
0x1b: {  	s9 =	sadd.s32 $0xFFFFFEF7, lr;
	s5 =	simm.s32 $0xFFFFFFFF;
	p2 =	slt.u32 s8, $0xFFFFF086  }
0x1c: {  	p1 =	slt.u32 s9, $0xF7A;
	s5 =	simm.s32 @!p2 $0x0  }
0x1d: {  	s5 =	simm.s32 @p1 $0x1;
	p0 =	seq.s32 s7, s2  }
0x1e: {  	s7 =	smul.u32 @!p0 $0xF7A, s2;
	p2 =	seq.s32 @!p0 s5, $0x0  }
0x1f: {  	s9 =	smul.u32 $0xF7A, s1;
	s8 =	simm.s32 @!p0 $0x1BF5;
	p2 =	por !p2, p0  }
0x20: {  	[sflag:s8] =	ssyncset.s32 @!p0 $0xFFFFF086;
	s6 =	sadd.s32 @!p0 s3, s7;
	s7 =	simm.s32 @!p0 $0x108  }
0x21: {  	s3 =	sadd.s32 s3, s9;
	s6 =	sadd.s32 @!p0 $0x88, s6;
	s7 =	simm.s32 @p2 $0x1082  }
0x22: {  	[simem:s7], [sflag:s8] =	dma.local @!p0 [hbm:s6], $0xF7A  }
0x23: {  	s9 =	sor.u32 $0xD0000000, s2;
	s6 =	simm.s32 $0x108;
	_ =	swait.ge @!p0 [sflag:s8], $0x0  }
0x24: {  	s3 =	sadd.s32 $0x88, s3;
	s6 =	simm.s32 @!p1 $0x1082;
	[sflag:s4] =	ssyncset.s32 $0xFFFFF086  }
0x25: {  	[simem:s6], [sflag:s4] =	dma.local [hbm:s3], $0xF7A  }
0x26: {  	[smem:$0x3F95] =	sst s1;
	(tag) =	ssettag s2;
	_ =	strace s9  }
0x27: {  	s1 =	sld [smem:$0x3FA5]  }
0x28: {  	s2 =	sld [smem:$0x3FA6]  }
0x29: {  	s4 =	sld [smem:$0x3FA8]  }
0x2a: {  	p0 =	seq.s32 s5, $0x0;
	s5 =	sld [smem:$0x3FA9]  }
0x2b: {  	s6 =	sld [smem:$0x3FAA]  }
0x2c: {  	s7 =	sld [smem:$0x3FAB]  }
0x2d: {  	s3 =	simm.s32 $0x108;
	s8 =	sld [smem:$0x3FAC]  }
0x2e: {  	s3 =	simm.s32 @!p0 $0x1082;
	s9 =	sld [smem:$0x3FAD]  }
0x2f: {  	lr =	sadd.s32 s0, s3;
	s0 =	sld [smem:$0x3FA4]  }
0x30: {  	s3 =	sld [smem:$0x3FA7]  }
0x31: {  	[smem:$0x3FB0] =	sst s10  }
0x32: {  	s10 =	sld [smem:$0x3FAE];
	_ =	sdelay $0x3  }
0x33: {  	p0 =	seq.s32 s10, $0x1;
	s10 =	sld [smem:$0x3FB0];
	_ =	sdelay $0x3  }
0x34: {  	[smem:$0x3FB0] =	sst s10  }
0x35: {  	s10 =	sld [smem:$0x3FAF];
	_ =	sdelay $0x3  }
0x36: {  	p1 =	seq.s32 s10, $0x1;
	s10 =	sld [smem:$0x3FB0];
	_ =	sdelay $0x3  }
0x37: {  	[smem:$0x3FB0] =	sst s10  }
0x38: {  	s10 =	sld [smem:$0x3FB1]  }
0x39: {  	_ = 	snop;
	(pc) =	sbr.ind lr, $3  }
0x3a: {  	_ = 	snop  }
0x3b: {  	_ = 	snop  }
0x3c: {  	p2 =	seq.s32 s10, $0x1;
	s10 =	sld [smem:$0x3FB0]  }
0x3d: {  	_ =	shalt  }
0x3e: {  	_ =	shalt  }
0x3f: {  	_ =	shalt  }
0x40: {  	_ =	shalt  }
0x41: {  	_ =	shalt  }
0x42: {  	_ =	shalt  }
0x43: {  	_ =	shalt  }
0x44: {  	_ =	shalt  }
0x45: {  	_ =	shalt  }
0x46: {  	_ =	shalt  }
0x47: {  	_ =	shalt  }
0x48: {  	_ =	shalt  }
0x49: {  	_ =	shalt  }
0x4a: {  	_ =	shalt  }
0x4b: {  	_ =	shalt  }
0x4c: {  	_ =	shalt  }
0x4d: {  	_ =	shalt  }
0x4e: {  	_ =	shalt  }
0x4f: {  	_ =	shalt  }
0x50: {  	_ =	shalt  }
0x51: {  	_ =	shalt  }
0x52: {  	_ =	shalt  }
0x53: {  	_ =	shalt  }
0x54: {  	_ =	shalt  }
0x55: {  	_ =	shalt  }
0x56: {  	_ =	shalt  }
0x57: {  	_ =	shalt  }
0x58: {  	_ =	shalt  }
0x59: {  	_ =	shalt  }
0x5a: {  	_ =	shalt  }
0x5b: {  	_ =	shalt  }
0x5c: {  	_ =	shalt  }
0x5d: {  	_ =	shalt  }
0x5e: {  	_ =	shalt  }
0x5f: {  	_ =	shalt  }
0x60: {  	_ =	shalt  }
0x61: {  	_ =	shalt  }
0x62: {  	_ =	shalt  }
0x63: {  	_ =	shalt  }
0x64: {  	_ =	shalt  }
0x65: {  	_ =	shalt  }
0x66: {  	_ =	shalt  }
0x67: {  	_ =	shalt  }
0x68: {  	_ =	shalt  }
0x69: {  	_ =	shalt  }
0x6a: {  	_ =	shalt  }
0x6b: {  	_ =	shalt  }
0x6c: {  	_ =	shalt  }
0x6d: {  	_ =	shalt  }
0x6e: {  	_ =	shalt  }
0x6f: {  	_ =	shalt  }
0x70: {  	_ =	shalt  }
0x71: {  	_ =	shalt  }
0x72: {  	_ =	shalt  }
0x73: {  	_ =	shalt  }
0x74: {  	_ =	shalt  }
0x75: {  	_ =	shalt  }
0x76: {  	_ =	shalt  }
0x77: {  	_ =	shalt  }
0x78: {  	_ =	shalt  }
0x79: {  	_ =	shalt  }
0x7a: {  	_ =	shalt  }
0x7b: {  	_ =	shalt  }
0x7c: {  	_ =	shalt  }
0x7d: {  	_ =	shalt  }
0x7e: {  	_ =	shalt  }
0x7f: {  	_ =	shalt  }
0x80: {  	_ =	shalt  }
0x81: {  	_ =	shalt  }
0x82: {  	_ =	shalt  }
0x83: {  	_ =	shalt  }
0x84: {  	_ =	shalt  }
0x85: {  	_ =	shalt  }
0x86: {  	_ =	shalt  }
0x87: {  	_ =	shalt  }
.Lfunc_end0:
.L_simem_size_0:
called_computation_lowered:
.L_overlay_start_0:
0x88: {  	s2 =	sld [smem:$0x3FD9]  }
0x89: {  	s3 =	sld [smem:$0x3FFE];
	_ =	sdelay $0x1  }
0x8a: {  	s1 =	srdreg.scid  }
0x8b: {  	s0 =	sand.u32 $0x1, s1  }
0x8c: {  	s17 =	sshll.u32 s0, $0xA;
	s2 =	sadd.s32 s3, s2  }
0x8d: {  	s2 =	sadd.s32 s2, s17  }
0x8e: {  	[smem:$0x3FBC] =	sst s2  }
0x8f: {  	_ = 	snop  }
0x90: {  	s2 =	sld [smem:$0x3FC9]  }
0x91: {  	s18 =	sld [smem:$0x3FC8];
	(tm) =	ssettm $0x1  }
0x92: {  	s4 =	sld [smem:$0x3FFB];
	_ =	sdelay $0x3  }
0x93: {  	_ =	strace s4  }
0x94: {  	s4 =	sld [smem:$0x3FFC];
	_ =	sdelay $0x3  }
0x95: {  	_ =	strace s4  }
0x96: {  	s4 =	sld [smem:$0x3FFD];
	_ =	sdelay $0x3  }
0x97: {  	_ =	strace s4  }
0x98: {  	_ =	strace $0x8FFFFFFF  }
0x99: {  	s19 =	sld [smem:$0x3FDB];
	_ =	sdelay $0x1  }
0x9a: {  	s5 =	simm.s32 $_scs_section_size  }
0x9b: {  	s6 =	simm.s32 $_size__tile_overlayer_lowered;
	s7 =	simm.s32 $_tile_overlayer_lowered  }
0x9c: {  	s22 =	simm.s32 $0x1BFF;
	s21 =	sshll.u32 s7, $0x1;
	s4 =	sadd.s32 s5, s19  }
0x9d: {  	s8 =	simm.s32 $0x0;
	s20 =	sshll.u32 s6, $0x1;
	s6 =	sadd.s32 s21, s4  }
0x9e: {  	[timem:s8], [sflag:s22] =	dma.local [hbm:s6], s20  }
0x9f: {  	_ =	swait.ge [sflag:s22], s20  }
0xa0: {  	s5 =	ssub.s32 $0x0, s20;
	[sflag:s22] =	ssyncset.done $0x0  }
0xa1: {  	[sflag:s22] =	ssyncadd.s32 s5;
	_ =	sdelay $0x1  }
0xa2: {  	s23 =	simm.s32 $0x1B8B  }
0xa3: {  	_ =	swait.ge [sflag:s23], $0x1  }
0xa4: {  	[sflag:s23] =	ssyncset.done $0x0  }
0xa5: {  	s25 =	simm.s32 $0x1B8E;
	s24 =	sld [smem:$0x3FFE];
	[sflag:s23] =	ssyncadd.s32 $0xFFFFFFFF  }
0xa6: {  	s26 =	simm.s32 $execute0_lowered;
	[smem:$0x3FD2] =	sst s25  }
0xa7: {  	s6 =	sshll.u32 s26, $0x1;
	_ =	strace $0x80000046;
	[dreg:$0x1] =	wrdreg $0xFFFFFFFF  }
0xa8: {  	s28 =	simm.s32 $_size_execute0_lowered;
	s4 =	sadd.s32 s4, s6;
	[dreg:$0x0] =	wrdreg $0x0  }
0xa9: {  	s6 =	sshll.u32 s28, $0x1;
	[dreg:$0x2] =	wrdreg s4  }
0xaa: {  	[dreg:$0x3] =	wrdreg s6  }
0xab: {  	[dreg:$0x4] =	wrdreg $0xC0  }
0xac: {  	_ =	task [dreg:s8], $0x5FFFF  }
0xad: {  	[dreg:$0x1] =	wrdreg $0xFFFFFFFF  }
0xae: {  	[dreg:$0x0] =	wrdreg $0x60  }
0xaf: {  	[dreg:$0x2] =	wrdreg s2  }
0xb0: {  	[dreg:$0x3] =	wrdreg s18  }
0xb1: {  	[dreg:$0x4] =	wrdreg s24  }
0xb2: {  	[dreg:$0x5] =	wrdreg $0x9  }
0xb3: {  	_ =	task.clear_ibuf [dreg:s8], $0x6FFFF;
	_ =	strace $0x90000046  }
0xb4: {  	s29 =	simm.s32 $0x9;
	_ =	strace $0x80000048  }
0xb5: {  	_ =	swait.ge [sflag:s29], $0x1  }
0xb6: {  	[sflag:s29] =	ssyncadd.s32 $0xFFFFFFFF  }
0xb7: {  	_ =	strace $0x90000048  }
0xb8: {  	_ =	sfence  }
0xb9: {  	s30 =	sld [smem:$0x0];
	_ =	sdelay $0x2  }
0xba: {  	s31 =	sshll.u32 s1, $0xD;
	s1 =	sshrl.u32 s1, $0x2  }
0xbb: {  	s3 =	sand.u32 $0x4000, s31;
	s1 =	sadd.s32 s1, s30  }
0xbc: {  	s0 =	sor.u32 s3, s0;
	s1 =	sshll.u32 s1, $0x11  }
0xbd: {  	s0 =	sor.u32 s1, s0  }
0xbe: {  	s0 =	sadd.s32 $0x8F2B, s0  }
0xbf: {  	[sflag:s0] =	ssyncadd.remote.s32 $0x1  }
0xc0: {  	_ =	sfence.sel $0xFFFF  }
0xc1: {  	[dreg:$0x0] =	wrdreg $0xFFFFFFFF;
	(pc) =	sbr.abs _section_cstart, $3  }
0xc2: {  	[dreg:$0x1] =	wrdreg $0xFFFFFFFF  }
0xc3: {  	_ =	task.clear_ibuf [dreg:s8], $0x2FFFF;
	_ =	strace $0x9FFFFFFF  }
0xc4: {  	(tm) =	ssettm $0x7FFFFFFF  }
0xc5: {  	_ =	shalt  }
tec
execute0_lowered:
.L_overlay_start_1:
0x0: {  	(tag) =	ssettag $0x1  }
0x1: {  	s3 =	rddreg [dreg:$0x0]  }
0x2: {  	s5 =	rddreg [dreg:$0x1]  }
0x3: {  	s1 =	srdreg.scid;
	s0 =	stileid.u32  }
0x4: {  	s16 =	rddreg [dreg:$0x2];
	s20 =	sand.u32 $0x1, s1;
	s4 =	sshll.u32 s0, $0x1  }
0x5: {  	s2 =	simm.s32 $0x0;
	s1 =	rddreg [dreg:$0x3];
	s17 =	sor.u32 s20, s4  }
0x6: {  	[smem:$0x7FF] =	sst s2;
	s6 =	sshll.u32 s17, $0x6  }
0x7: {  	_ =	strace $0x80000047;
	s4 =	sadd.s32 s3, s6;
	s3 =	simm.s32 $0x2  }
0x8: {  	[tilespmem:s2], [sflag:$0x2] =	stream.linear.gather [hbm4b:s4+s2], $0x200, $0x38;
	[tilespmem:$0x10400] =	vst v63  }
0x9: {  	_ =	swait.ge [sflag:s3], $0x200  }
0xa: {  	[sflag:s3] =	ssyncset.done $0x0  }
0xb: {  	s5 =	sadd.s32 s5, s6;
	s6 =	simm.s32 $0x200;
	[sflag:s3] =	ssyncadd.s32 $0xFFFFFE00  }
0xc: {  	[tilespmem:s6], [sflag:$0x2] =	stream.linear.gather [hbm4b:s5+s2], $0x200, $0x38;
	[tilespmem:$0x10400] =	vst v63  }
0xd: {  	_ =	swait.ge [sflag:s3], $0x200  }
0xe: {  	s8 =	simm.s32 $0x80;
	[sflag:s3] =	ssyncset.done $0x0  }
0xf: {  	s9 =	simm.s32 $0x400;
	s7 =	sadd.s32 $0x1600, s16;
	[sflag:s3] =	ssyncadd.s32 $0xFFFFFE00  }
0x10: {  	[tilespmem:s9], [sflag:$0x1] =	stream.indirect.gather [hbm4b:s7+s8], $0x80, s2, s8, $0xb8;
	[tilespmem:$0x10400] =	vst v63  }
0x11: {  	s10 =	simm.s32 $0x4400  }
0x12: {  	[tilespmem:s10], [sflag:$0x1] =	stream.indirect.gather [hbm4b:s7+s8], $0x80, s8, s8, $0xb8;
	[tilespmem:$0x10400] =	vst v63  }
0x13: {  	s11 =	simm.s32 $0x100;
	s12 =	simm.s32 $0x8400  }
0x14: {  	[tilespmem:s12], [sflag:$0x1] =	stream.indirect.gather [hbm4b:s7+s8], $0x80, s11, s8, $0xb8;
	[tilespmem:$0x10400] =	vst v63  }
0x15: {  	s13 =	simm.s32 $0x180;
	s14 =	simm.s32 $0xC400;
	s15 =	simm.s32 $0x1  }
0x16: {  	[tilespmem:s14], [sflag:$0x1] =	stream.indirect.gather [hbm4b:s7+s8], $0x80, s13, s8, $0xb8;
	[tilespmem:$0x10400] =	vst v63  }
0x17: {  	_ =	swait.ge [sflag:s15], $0x4000  }
0x18: {  	[sflag:s15] =	ssyncset.done $0x0  }
0x19: {  	[sflag:s15] =	ssyncadd.s32 $0xFFFFC000  }
0x1a: {  	_ =	swait.ge [sflag:s15], $0x4000  }
0x1b: {  	[sflag:s15] =	ssyncset.done $0x0  }
0x1c: {  	[sflag:s15] =	ssyncadd.s32 $0xFFFFC000  }
0x1d: {  	_ =	swait.ge [sflag:s15], $0x4000  }
0x1e: {  	[sflag:s15] =	ssyncset.done $0x0  }
0x1f: {  	[sflag:s15] =	ssyncadd.s32 $0xFFFFC000  }
0x20: {  	s17 =	sshll.u32 s17, $0xD;
	_ =	swait.ge [sflag:s15], $0x4000  }
0x21: {  	s21 =	sadd.s32 s17, s16;
	[sflag:s15] =	ssyncset.done $0x0  }
0x22: {  	s16 =	sadd.s32 $0xF43A00, s21;
	[sflag:s15] =	ssyncadd.s32 $0xFFFFC000  }
0x23: {  	[hbm4b:s16+s2] =	stream.linear.scatter [tilespmem:s9], [sflag:$0x2], $0x10000, $0x38;
	[tilespmem:$0x10400] =	vst v63  }
0x24: {  	_ =	swait.ge [sflag:s3], $0x10000  }
0x25: {  	[sflag:s3] =	ssyncset.done $0x0  }
0x26: {  	[sflag:s3] =	ssyncadd.s32 $0xFFFF0000  }
0x27: {  	[tilespmem:s9], [sflag:$0x1] =	stream.indirect.gather [hbm4b:s7+s8], $0x80, s6, s8, $0xb8;
	[tilespmem:$0x10400] =	vst v63  }
0x28: {  	s17 =	simm.s32 $0x280  }
0x29: {  	[tilespmem:s10], [sflag:$0x1] =	stream.indirect.gather [hbm4b:s7+s8], $0x80, s17, s8, $0xb8;
	[tilespmem:$0x10400] =	vst v63  }
0x2a: {  	s18 =	simm.s32 $0x300  }
0x2b: {  	[tilespmem:s12], [sflag:$0x1] =	stream.indirect.gather [hbm4b:s7+s8], $0x80, s18, s8, $0xb8;
	[tilespmem:$0x10400] =	vst v63  }
0x2c: {  	s19 =	simm.s32 $0x380  }
0x2d: {  	[tilespmem:s14], [sflag:$0x1] =	stream.indirect.gather [hbm4b:s7+s8], $0x80, s19, s8, $0xb8;
	[tilespmem:$0x10400] =	vst v63  }
0x2e: {  	_ =	swait.ge [sflag:s15], $0x4000  }
0x2f: {  	[sflag:s15] =	ssyncset.done $0x0  }
0x30: {  	[sflag:s15] =	ssyncadd.s32 $0xFFFFC000  }
0x31: {  	_ =	swait.ge [sflag:s15], $0x4000  }
0x32: {  	[sflag:s15] =	ssyncset.done $0x0  }
0x33: {  	s20 =	ssub.s32 $0x2, s20;
	[sflag:s15] =	ssyncadd.s32 $0xFFFFC000  }
0x34: {  	s22 =	sshrl.u32 s20, $0x1;
	_ =	swait.ge [sflag:s15], $0x4000  }
0x35: {  	s22 =	ssub.s32 s20, s22;
	[sflag:s15] =	ssyncset.done $0x0  }
0x36: {  	s31 =	smax.u32 s22, $0x1;
	[sflag:s15] =	ssyncadd.s32 $0xFFFFC000  }
0x37: {  	p0 =	sne.s32 s31, $0x1;
	_ =	swait.ge [sflag:s15], $0x4000  }
.Ltmp0:
0x38: {  	[sflag:s15] =	ssyncset.done $0x0;
	(pc) =	sbr.rel @!p0 .LBB2_2-.Ltmp0, $4  }
0x39: {  	s20 =	sadd.s32 $0xF83A00, s21;
	[sflag:s15] =	ssyncadd.s32 $0xFFFFC000  }
0x3a: {  	[hbm4b:s20+s2] =	stream.linear.scatter [tilespmem:s9], [sflag:$0x2], $0x10000, $0x38;
	[tilespmem:$0x10400] =	vst v63  }
0x3b: {  	_ =	swait.ge [sflag:s3], $0x10000  }
0x3c: {  	s21 =	sadd.s32 $0xFFFFFFFF, s31;
	[sflag:s3] =	ssyncset.done $0x0  }
.LBB2_1:
0x3d: {  	p0 =	sne.s32 s21, $0x1;
	s21 =	sadd.s32 $0xFFFFFFFF, s21;
	[sflag:s3] =	ssyncadd.s32 $0xFFFF0000  }
0x3e: {  	[tilespmem:s2], [sflag:$0x2] =	stream.linear.gather [hbm4b:s4+s2], $0x200, $0x38;
	[tilespmem:$0x10400] =	vst v63  }
0x3f: {  	_ =	swait.ge [sflag:s3], $0x200  }
0x40: {  	[sflag:s3] =	ssyncset.done $0x0  }
0x41: {  	[sflag:s3] =	ssyncadd.s32 $0xFFFFFE00  }
0x42: {  	[tilespmem:s6], [sflag:$0x2] =	stream.linear.gather [hbm4b:s5+s2], $0x200, $0x38;
	[tilespmem:$0x10400] =	vst v63  }
0x43: {  	_ =	swait.ge [sflag:s3], $0x200  }
0x44: {  	[sflag:s3] =	ssyncset.done $0x0  }
0x45: {  	[sflag:s3] =	ssyncadd.s32 $0xFFFFFE00  }
0x46: {  	[tilespmem:s9], [sflag:$0x1] =	stream.indirect.gather [hbm4b:s7+s8], $0x80, s2, s8, $0xb8;
	[tilespmem:$0x10400] =	vst v63  }
0x47: {  	_ = 	snop  }
0x48: {  	[tilespmem:s10], [sflag:$0x1] =	stream.indirect.gather [hbm4b:s7+s8], $0x80, s8, s8, $0xb8;
	[tilespmem:$0x10400] =	vst v63  }
0x49: {  	_ = 	snop  }
0x4a: {  	[tilespmem:s12], [sflag:$0x1] =	stream.indirect.gather [hbm4b:s7+s8], $0x80, s11, s8, $0xb8;
	[tilespmem:$0x10400] =	vst v63  }
0x4b: {  	_ = 	snop  }
0x4c: {  	[tilespmem:s14], [sflag:$0x1] =	stream.indirect.gather [hbm4b:s7+s8], $0x80, s13, s8, $0xb8;
	[tilespmem:$0x10400] =	vst v63  }
0x4d: {  	_ =	swait.ge [sflag:s15], $0x4000  }
0x4e: {  	[sflag:s15] =	ssyncset.done $0x0  }
0x4f: {  	[sflag:s15] =	ssyncadd.s32 $0xFFFFC000  }
0x50: {  	_ =	swait.ge [sflag:s15], $0x4000  }
0x51: {  	[sflag:s15] =	ssyncset.done $0x0  }
0x52: {  	[sflag:s15] =	ssyncadd.s32 $0xFFFFC000  }
0x53: {  	_ =	swait.ge [sflag:s15], $0x4000  }
0x54: {  	[sflag:s15] =	ssyncset.done $0x0  }
0x55: {  	[sflag:s15] =	ssyncadd.s32 $0xFFFFC000  }
0x56: {  	_ =	swait.ge [sflag:s15], $0x4000  }
0x57: {  	[sflag:s15] =	ssyncset.done $0x0  }
0x58: {  	[sflag:s15] =	ssyncadd.s32 $0xFFFFC000  }
0x59: {  	[hbm4b:s16+s2] =	stream.linear.scatter [tilespmem:s9], [sflag:$0x2], $0x10000, $0x38;
	[tilespmem:$0x10400] =	vst v63  }
0x5a: {  	_ =	swait.ge [sflag:s3], $0x10000  }
0x5b: {  	[sflag:s3] =	ssyncset.done $0x0  }
0x5c: {  	[sflag:s3] =	ssyncadd.s32 $0xFFFF0000  }
0x5d: {  	[tilespmem:s9], [sflag:$0x1] =	stream.indirect.gather [hbm4b:s7+s8], $0x80, s6, s8, $0xb8;
	[tilespmem:$0x10400] =	vst v63  }
0x5e: {  	_ = 	snop  }
0x5f: {  	[tilespmem:s10], [sflag:$0x1] =	stream.indirect.gather [hbm4b:s7+s8], $0x80, s17, s8, $0xb8;
	[tilespmem:$0x10400] =	vst v63  }
0x60: {  	_ = 	snop  }
0x61: {  	[tilespmem:s12], [sflag:$0x1] =	stream.indirect.gather [hbm4b:s7+s8], $0x80, s18, s8, $0xb8;
	[tilespmem:$0x10400] =	vst v63  }
0x62: {  	_ = 	snop  }
0x63: {  	[tilespmem:s14], [sflag:$0x1] =	stream.indirect.gather [hbm4b:s7+s8], $0x80, s19, s8, $0xb8;
	[tilespmem:$0x10400] =	vst v63  }
0x64: {  	_ =	swait.ge [sflag:s15], $0x4000  }
0x65: {  	[sflag:s15] =	ssyncset.done $0x0  }
0x66: {  	[sflag:s15] =	ssyncadd.s32 $0xFFFFC000  }
0x67: {  	_ =	swait.ge [sflag:s15], $0x4000  }
0x68: {  	[sflag:s15] =	ssyncset.done $0x0  }
0x69: {  	[sflag:s15] =	ssyncadd.s32 $0xFFFFC000  }
0x6a: {  	_ =	swait.ge [sflag:s15], $0x4000  }
0x6b: {  	[sflag:s15] =	ssyncset.done $0x0  }
0x6c: {  	[sflag:s15] =	ssyncadd.s32 $0xFFFFC000  }
0x6d: {  	_ =	swait.ge [sflag:s15], $0x4000  }
.Ltmp1:
0x6e: {  	[sflag:s15] =	ssyncset.done $0x0;
	(pc) =	sbr.rel @p0 .LBB2_1-.Ltmp1, $4  }
0x6f: {  	[sflag:s15] =	ssyncadd.s32 $0xFFFFC000  }
0x70: {  	[hbm4b:s20+s2] =	stream.linear.scatter [tilespmem:s9], [sflag:$0x2], $0x10000, $0x38;
	[tilespmem:$0x10400] =	vst v63  }
0x71: {  	_ =	swait.ge [sflag:s3], $0x10000  }
0x72: {  	[sflag:s3] =	ssyncset.done $0x0  }
.LBB2_2:
0x73: {  	[sflag:s3] =	ssyncadd.s32 $0xFFFF0000  }
0x74: {  	_ =	sfence.sel $0x180000  }
0x75: {  	[bflag:$0x0] =	sbarrier.arrive $0xFFFF  }
0x76: {  	p0 =	sne.s32 s0, $0x0;
	_ =	strace $0x90000047  }
0x77: {  	s0 =	sadd.s32 @!p0 $0x100000, s1;
	[bflag:$0x2] =	sbarrier.arrive $0xFFFF  }
0x78: {  	[sflag:s0] =	ssyncadd.tile.s32 @!p0 $0x1;
	_ =	shalt  }
.Lfunc_end2:
_tile_overlayer_lowered:
.L_overlay_start_2:
0x79: {  	(tag) =	ssettag $0x2  }
0x7a: {  	s0 =	rddreg [dreg:$0x0];
	s2 =	stileid.u32  }
0x7b: {  	s1 =	rddreg [dreg:$0x1];
	p0 =	sne.s32 s2, $0x0  }
0x7c: {  	s3 =	rddreg [dreg:$0x2];
	[bflag:$0x3] =	sbarrier.arrive $0xFFFF;
	s2 =	simm.s32 @!p0 $0x1C02  }
0x7d: {  	[timem:s3], [sflag:s2] =	dma.local @!p0 [hbm:s0], s1  }
0x7e: {  	s0 =	simm.s32 @!p0 $0x2  }
0x7f: {  	_ =	swait.ge @!p0 [sflag:s0], s1  }
0x80: {  	s1 =	ssub.s32 @!p0 $0x0, s1;
	[sflag:s0] =	ssyncset.done @!p0 $0x0  }
0x81: {  	[sflag:s0] =	ssyncadd.s32 @!p0 s1  }
0x82: {  	[bflag:$0x3] =	sbarrier.arrive $0xFFFF  }
0x83: {  	_ =	shalt  }

</sc_bundles>
